<compile_context>
chip_gen: v7x
topology: tpu7x:2x2x1
jax: 0.10.2.dev20260603
libtpu: 0.0.44.dev20260713+nightly
codegen_flags: <defaults>
</compile_context>

<pallas_src>
import functools

import jax
import jax.numpy as jnp
from jax import lax
from jax.experimental import pallas as pl
from jax.experimental.pallas import tpu as pltpu
from jax.experimental.pallas import tpu_sc as plsc

_INPUT_DIM = 96
_K = 8192
_D = 32
_BETA = 0.3
_N_TOKENS = 16 * 576
_TILE = 384
_GRID = _N_TOKENS // _TILE


def _main_body(x_ref, w_ref, b_ref, cb_ref, csq_ref, a_ref, ones_ref,
               enc_ref, idx_ref, z_ref, cnt_ref):
    x = x_ref[...]
    w = w_ref[...]
    b = b_ref[...]
    cb = cb_ref[...]
    csq = csq_ref[...]
    a = a_ref[...]
    z = jax.lax.dot_general(x, w, (((1,), (1,)), ((), ())),
                            preferred_element_type=jnp.float32) + b
    z2 = z + z
    m2 = jax.lax.dot_general(z2, cb, (((1,), (1,)), ((), ())),
                             preferred_element_type=jnp.float32)
    d = (a + csq) - m2

    n_chunks = 4
    cw = _K // n_chunks
    col = jax.lax.broadcasted_iota(jnp.int32, d.shape, 1)
    acc_v = None
    acc_i = None
    for c in range(n_chunks):
        dc = d[:, c * cw:(c + 1) * cw]
        vc = jnp.min(dc, axis=1, keepdims=True)
        wc = jnp.min(jnp.where(dc == vc, col[:, c * cw:(c + 1) * cw], _K),
                     axis=1, keepdims=True)
        vb = vc.astype(jnp.bfloat16).astype(jnp.float32)
        if acc_v is None:
            acc_v, acc_i = vb, wc
        else:
            take = vc < acc_v
            acc_i = jnp.where(take, wc, acc_i)
            acc_v = jnp.where(take, vb, acc_v)
    idx = acc_i

    onehot = (col == idx).astype(jnp.float32)
    enc_ref[...] = onehot
    idx_ref[...] = idx
    z_ref[...] = z
    cnt_ref[...] = jax.lax.dot_general(
        ones_ref[...], onehot, (((1,), (0,)), ((), ())),
        preferred_element_type=jnp.float32)[None]


def _epilogue_body(q_ref, z_ref, cnt_ref, loss_ref, perp_ref):
    q = q_ref[...]
    z = z_ref[...]
    diff = q - z
    mse = jnp.sum(diff * diff) / jnp.float32(_N_TOKENS * _D)
    loss_ref[...] = jnp.full((1, 1), mse + jnp.float32(_BETA) * mse,
                             dtype=jnp.float32)
    cnt = jnp.sum(cnt_ref[...][:, 0, :], axis=0, keepdims=True)
    p = cnt / jnp.float32(_N_TOKENS)
    perp = jnp.exp(-jnp.sum(p * jnp.log(p + 1e-10), keepdims=True))
    perp_ref[...] = perp.reshape(1, 1)


_D_PAD = 128


def _make_gather():
    info = plsc.get_sparse_core_info()
    num_cores = info.num_cores
    _NW = num_cores * info.num_subcores
    _B_PER_W = _N_TOKENS // _NW
    mesh = plsc.VectorSubcoreMesh(core_axis_name="c", subcore_axis_name="s")

    @functools.partial(
        pl.kernel, mesh=mesh,
        out_type=jax.ShapeDtypeStruct((_N_TOKENS, _D_PAD), jnp.float32),
        scratch_types=[
            pltpu.VMEM((_B_PER_W,), jnp.int32),
            pltpu.VMEM((_B_PER_W, _D_PAD), jnp.float32),
            pltpu.SemaphoreType.DMA,
        ],
    )
    def gather_k(table_hbm, idx_hbm, out_hbm, idx_v, rows_v, sem):
        wid = lax.axis_index("s") * num_cores + lax.axis_index("c")
        base = wid * _B_PER_W
        pltpu.sync_copy(idx_hbm.at[pl.ds(base, _B_PER_W)], idx_v)
        pltpu.async_copy(table_hbm.at[idx_v], rows_v, sem).wait()
        pltpu.sync_copy(rows_v, out_hbm.at[pl.ds(base, _B_PER_W)])

    return gather_k


def kernel(x, W, b, codebook):
    B, S, _ = x.shape
    flat = x.reshape(-1, _INPUT_DIM)
    b2 = b.reshape(1, _D)

    z_x = flat @ W.T + b
    a_x = jnp.sum(z_x ** 2, axis=1, keepdims=True)
    csq_x = jnp.sum(codebook ** 2, axis=1).reshape(1, _K)

    enc, idx, z, cnt_part = pl.pallas_call(
        _main_body,
        grid=(_GRID,),
        in_specs=[
            pl.BlockSpec((_TILE, _INPUT_DIM), lambda i: (i, 0)),
            pl.BlockSpec((_D, _INPUT_DIM), lambda i: (0, 0)),
            pl.BlockSpec((1, _D), lambda i: (0, 0)),
            pl.BlockSpec((_K, _D), lambda i: (0, 0)),
            pl.BlockSpec((1, _K), lambda i: (0, 0)),
            pl.BlockSpec((_TILE, 1), lambda i: (i, 0)),
            pl.BlockSpec((1, _TILE), lambda i: (0, 0)),
        ],
        out_specs=[
            pl.BlockSpec((_TILE, _K), lambda i: (i, 0)),
            pl.BlockSpec((_TILE, 1), lambda i: (i, 0)),
            pl.BlockSpec((_TILE, _D), lambda i: (i, 0)),
            pl.BlockSpec((1, 1, _K), lambda i: (i, 0, 0)),
        ],
        out_shape=[
            jax.ShapeDtypeStruct((_N_TOKENS, _K), jnp.float32),
            jax.ShapeDtypeStruct((_N_TOKENS, 1), jnp.int32),
            jax.ShapeDtypeStruct((_N_TOKENS, _D), jnp.float32),
            jax.ShapeDtypeStruct((_GRID, 1, _K), jnp.float32),
        ],
        compiler_params=pltpu.CompilerParams(
            dimension_semantics=("arbitrary",),
        ),
    )(flat, W, b2, codebook, csq_x, a_x, jnp.ones((1, _TILE), jnp.float32))

    cb_pad = jnp.pad(codebook, ((0, 0), (0, _D_PAD - _D)))
    q = _make_gather()(cb_pad, idx.reshape(-1))[:, :_D]

    loss, perp = pl.pallas_call(
        _epilogue_body,
        out_shape=[
            jax.ShapeDtypeStruct((1, 1), jnp.float32),
            jax.ShapeDtypeStruct((1, 1), jnp.float32),
        ],
    )(q, z, cnt_part)

    return (loss[0, 0], q.reshape(B, S, _D), perp[0, 0], enc.reshape(B, S, _K))

# --- scband reference (transcript-rebuilt; emitter-appended) ---
"""Pipeline reference for scband-vector-quantizer-65712999629501 (READ-ONLY COPY).

The authoritative reference and input builder live on the scoring server;
editing this copy changes nothing except your own understanding.
"""

import jax, jax.numpy as jnp
import numpy as np

INPUT_DIM = 96
K = 8192
D = 32
BETA = 0.3


def setup_inputs(seed: int = 0) -> dict:
    key = jax.random.key(seed)
    k1, k2, k3, k4 = jax.random.split(key, 4)
    x = jax.random.normal(k1, (16, 576, INPUT_DIM), dtype=jnp.float32)
    # projection weights (nn.Linear: y = x @ W.T + b)
    W = jax.random.normal(k2, (D, INPUT_DIM), dtype=jnp.float32) * (1.0 / np.sqrt(INPUT_DIM))
    b = jnp.zeros((D,), dtype=jnp.float32)
    codebook = jax.random.uniform(k4, (K, D), minval=-1.0 / K, maxval=1.0 / K, dtype=jnp.float32)
    return {"x": x, "W": W, "b": b, "codebook": codebook}


def reference(x, W, b, codebook):
    B, S, _ = x.shape
    flat = x.reshape(-1, x.shape[-1])
    z_e = flat @ W.T + b
    distances = (
        jnp.sum(z_e ** 2, axis=1, keepdims=True)
        + jnp.sum(codebook ** 2, axis=1)
        - 2.0 * (z_e @ codebook.T)
    )
    min_indices = jnp.argmin(distances, axis=1)
    quantized = jnp.take(codebook, min_indices, axis=0)
    codebook_loss = jnp.mean((quantized - jax.lax.stop_gradient(z_e)) ** 2)
    commitment_loss = jnp.mean((z_e - jax.lax.stop_gradient(quantized)) ** 2)
    vq_loss = codebook_loss + BETA * commitment_loss
    quantized = z_e + jax.lax.stop_gradient(quantized - z_e)
    encodings = jax.nn.one_hot(min_indices, K, dtype=jnp.float32)
    avg_probs = jnp.mean(encodings, axis=0)
    perplexity = jnp.exp(-jnp.sum(avg_probs * jnp.log(avg_probs + 1e-10)))
    quantized = quantized.reshape(B, S, D)
    encodings = encodings.reshape(B, S, K)
    return (vq_loss, quantized, perplexity, encodings)

if __name__ == "__main__":
    import jax
    _d = setup_inputs()
    print(jax.jit(kernel)(*tuple(_d.values())))

</pallas_src>

<mosaic_0001>
#map = affine_map<(d0, d1) -> (0, 0)>
#map1 = affine_map<(d0, d1) -> (0)>
module attributes {stable_mosaic.version = 14 : i64} {
  func.func @gather_k(%arg0: i32, %arg1: i32, %arg2: memref<8192x128xf32, #tpu.memory_space<hbm>>, %arg3: memref<9216xi32, #tpu.memory_space<hbm>>, %arg4: memref<9216x128xf32, #tpu.memory_space<hbm>>, %arg5: memref<288xi32, #tpu.memory_space<vmem>>, %arg6: memref<288x128xf32, #tpu.memory_space<vmem>>, %arg7: memref<!tpu.dma_semaphore, #tpu.memory_space<semaphore_mem>>) attributes {dimension_semantics = [#tpu.dimension_semantics<core_parallel>, #tpu.dimension_semantics<subcore_parallel>], iteration_bounds = array<i64: 2, 16>, scalar_prefetch = 0 : i64, scratch_operands = 3 : i64, tpu.core_type = #tpu.core_type<sc_vector_subcore>, window_params = [{transform_indices = #map}, {transform_indices = #map1}, {transform_indices = #map}]} {
    %mul3A = arith.constant 2 : i32
    %mul3A_0 = arith.muli %arg1, %mul3A : i32
    %add3A = arith.addi %mul3A_0, %arg0 : i32
    %mul3A_1 = arith.constant 288 : i32
    %mul3A_2 = arith.muli %add3A, %mul3A_1 : i32
    "tpu.region"() ({
      %run_scoped3A = tpu.sem_alloc : memref<!tpu.dma_semaphore, #tpu.memory_space<semaphore_mem>>
      %dma_start3A_7 = tpu.memref_slice %arg3[%mul3A_2] : memref<9216xi32, #tpu.memory_space<hbm>> -> memref<288xi32, #tpu.memory_space<hbm>>
      %dma_start3A_8 = tpu.memref_slice %arg3[%mul3A_2] : memref<9216xi32, #tpu.memory_space<hbm>> -> memref<288xi32, #tpu.memory_space<hbm>>
      tpu.enqueue_dma source(%dma_start3A_8 : memref<288xi32, #tpu.memory_space<hbm>>) target(%arg5 : memref<288xi32, #tpu.memory_space<vmem>>) target_semaphore(%run_scoped3A : memref<!tpu.dma_semaphore, #tpu.memory_space<semaphore_mem>>)
      %dma_wait3A_9 = tpu.memref_slice %arg3[%mul3A_2] : memref<9216xi32, #tpu.memory_space<hbm>> -> memref<288xi32, #tpu.memory_space<hbm>>
      %dma_wait3A_10 = tpu.memref_slice %arg3[%mul3A_2] : memref<9216xi32, #tpu.memory_space<hbm>> -> memref<288xi32, #tpu.memory_space<hbm>>
      tpu.wait_dma2 semaphore(%run_scoped3A : memref<!tpu.dma_semaphore, #tpu.memory_space<semaphore_mem>>) src(%dma_wait3A_10 : memref<288xi32, #tpu.memory_space<hbm>>) dst(%arg5 : memref<288xi32, #tpu.memory_space<vmem>>)
      tpu.yield
    }) : () -> ()
    %dma_start3A = arith.constant 0 : i32
    %dma_start3A_3 = arith.constant 0 : i32
    %dma_start3A_4 = tpu.memref_slice %arg2[%dma_start3A, %dma_start3A_3] : memref<8192x128xf32, #tpu.memory_space<hbm>> -> memref<8192x128xf32, #tpu.memory_space<hbm>>
    tpu.enqueue_indirect_dma source(%dma_start3A_4 : memref<8192x128xf32, #tpu.memory_space<hbm>>) target(%arg6 : memref<288x128xf32, #tpu.memory_space<vmem>>) offsets(%arg5 : memref<288xi32, #tpu.memory_space<vmem>>) semaphore(%arg7 : memref<!tpu.dma_semaphore, #tpu.memory_space<semaphore_mem>>)
    %dma_wait3A = arith.constant 0 : i32
    %dma_wait3A_5 = arith.constant 0 : i32
    %dma_wait3A_6 = tpu.memref_slice %arg2[%dma_wait3A, %dma_wait3A_5] : memref<8192x128xf32, #tpu.memory_space<hbm>> -> memref<8192x128xf32, #tpu.memory_space<hbm>>
    tpu.wait_indirect_dma semaphore(%arg7 : memref<!tpu.dma_semaphore, #tpu.memory_space<semaphore_mem>>) src(%dma_wait3A_6 : memref<8192x128xf32, #tpu.memory_space<hbm>>) dst(%arg6 : memref<288x128xf32, #tpu.memory_space<vmem>>)
    "tpu.region"() ({
      %run_scoped3A = tpu.sem_alloc : memref<!tpu.dma_semaphore, #tpu.memory_space<semaphore_mem>>
      %dma_start3A_7 = arith.constant 0 : i32
      %dma_start3A_8 = tpu.memref_slice %arg4[%mul3A_2, %dma_start3A_7] : memref<9216x128xf32, #tpu.memory_space<hbm>> -> memref<288x128xf32, #tpu.memory_space<hbm>>
      %dma_start3A_9 = arith.constant 0 : i32
      %dma_start3A_10 = tpu.memref_slice %arg4[%mul3A_2, %dma_start3A_9] : memref<9216x128xf32, #tpu.memory_space<hbm>> -> memref<288x128xf32, #tpu.memory_space<hbm>>
      tpu.enqueue_dma source(%arg6 : memref<288x128xf32, #tpu.memory_space<vmem>>) target(%dma_start3A_10 : memref<288x128xf32, #tpu.memory_space<hbm>>) target_semaphore(%run_scoped3A : memref<!tpu.dma_semaphore, #tpu.memory_space<semaphore_mem>>)
      %dma_wait3A_11 = arith.constant 0 : i32
      %dma_wait3A_12 = tpu.memref_slice %arg4[%mul3A_2, %dma_wait3A_11] : memref<9216x128xf32, #tpu.memory_space<hbm>> -> memref<288x128xf32, #tpu.memory_space<hbm>>
      %dma_wait3A_13 = arith.constant 0 : i32
      %dma_wait3A_14 = tpu.memref_slice %arg4[%mul3A_2, %dma_wait3A_13] : memref<9216x128xf32, #tpu.memory_space<hbm>> -> memref<288x128xf32, #tpu.memory_space<hbm>>
      tpu.wait_dma2 semaphore(%run_scoped3A : memref<!tpu.dma_semaphore, #tpu.memory_space<semaphore_mem>>) src(%arg6 : memref<288x128xf32, #tpu.memory_space<vmem>>) dst(%dma_wait3A_14 : memref<288x128xf32, #tpu.memory_space<hbm>>)
      tpu.yield
    }) : () -> ()
    return
  }
}

module attributes {stable_mosaic.version = 14 : i64} {
  func.func @_main_body(%arg0: i32, %arg1: memref<384x96xf32, #tpu.memory_space<vmem>>, %arg2: memref<32x96xf32, #tpu.memory_space<vmem>>, %arg3: memref<1x32xf32, #tpu.memory_space<vmem>>, %arg4: memref<8192x32xf32, #tpu.memory_space<vmem>>, %arg5: memref<1x8192xf32, #tpu.memory_space<vmem>>, %arg6: memref<384x1xf32, #tpu.memory_space<vmem>>, %arg7: memref<1x384xf32, #tpu.memory_space<vmem>>, %arg8: memref<384x8192xf32, #tpu.memory_space<vmem>>, %arg9: memref<384x1xi32, #tpu.memory_space<vmem>>, %arg10: memref<384x32xf32, #tpu.memory_space<vmem>>, %arg11: memref<1x1x8192xf32, #tpu.memory_space<vmem>>) attributes {dimension_semantics = [#tpu.dimension_semantics<arbitrary>], iteration_bounds = array<i64: 24>, scalar_prefetch = 0 : i64, scratch_operands = 0 : i64, tpu.core_type = #tpu.core_type<tc>, window_params = [{transform_indices = @transform_0, window_bounds = array<i64: 384, 96>}, {pipeline_mode = #tpu.pipeline_mode<synchronous>, transform_indices = @transform_1, window_bounds = array<i64: 32, 96>}, {pipeline_mode = #tpu.pipeline_mode<synchronous>, transform_indices = @transform_2, window_bounds = array<i64: 1, 32>}, {pipeline_mode = #tpu.pipeline_mode<synchronous>, transform_indices = @transform_3, window_bounds = array<i64: 8192, 32>}, {pipeline_mode = #tpu.pipeline_mode<synchronous>, transform_indices = @transform_4, window_bounds = array<i64: 1, 8192>}, {transform_indices = @transform_5, window_bounds = array<i64: 384, 1>}, {pipeline_mode = #tpu.pipeline_mode<synchronous>, transform_indices = @transform_6, window_bounds = array<i64: 1, 384>}, {transform_indices = @transform_7, window_bounds = array<i64: 384, 8192>}, {transform_indices = @transform_8, window_bounds = array<i64: 384, 1>}, {transform_indices = @transform_9, window_bounds = array<i64: 384, 32>}, {transform_indices = @transform_10, window_bounds = array<i64: 1, 1, 8192>}]} {
    %get3A = arith.constant 0 : index
    %get3A_0 = arith.constant 0 : index
    %get3A_1 = vector.load %arg1[%get3A, %get3A_0] : memref<384x96xf32, #tpu.memory_space<vmem>>, vector<384x96xf32>
    %get3A_2 = arith.constant 0 : index
    %get3A_3 = arith.constant 0 : index
    %get3A_4 = vector.load %arg2[%get3A_2, %get3A_3] : memref<32x96xf32, #tpu.memory_space<vmem>>, vector<32x96xf32>
    %get3A_5 = arith.constant 0 : index
    %get3A_6 = arith.constant 0 : index
    %get3A_7 = vector.load %arg3[%get3A_5, %get3A_6] : memref<1x32xf32, #tpu.memory_space<vmem>>, vector<1x32xf32>
    %get3A_8 = arith.constant 0 : index
    %get3A_9 = arith.constant 0 : index
    %get3A_10 = vector.load %arg4[%get3A_8, %get3A_9] : memref<8192x32xf32, #tpu.memory_space<vmem>>, vector<8192x32xf32>
    %get3A_11 = arith.constant 0 : index
    %get3A_12 = arith.constant 0 : index
    %get3A_13 = vector.load %arg5[%get3A_11, %get3A_12] : memref<1x8192xf32, #tpu.memory_space<vmem>>, vector<1x8192xf32>
    %get3A_14 = arith.constant 0 : index
    %get3A_15 = arith.constant 0 : index
    %get3A_16 = vector.load %arg6[%get3A_14, %get3A_15] : memref<384x1xf32, #tpu.memory_space<vmem>>, vector<384x1xf32>
    %dot_general3A = arith.constant dense<0.000000e+00> : vector<384x32xf32>
    %dot_general3A_17 = tpu.matmul %get3A_1, %get3A_4, %dot_general3A {dimension_numbers = #tpu.dot_dimension_numbers<[1], [1], [0], [0], [0, 0, 1, 0], [], []>, transpose_lhs_hint = false} : vector<384x96xf32>, vector<32x96xf32>, vector<384x32xf32> -> vector<384x32xf32>
    %add3A = vector.broadcast %get3A_7 : vector<1x32xf32> to vector<384x32xf32>
    %add3A_18 = arith.addf %dot_general3A_17, %add3A : vector<384x32xf32>
    %add3A_19 = arith.addf %add3A_18, %add3A_18 : vector<384x32xf32>
    %dot_general3A_20 = arith.constant dense<0.000000e+00> : vector<384x8192xf32>
    %dot_general3A_21 = tpu.matmul %add3A_19, %get3A_10, %dot_general3A_20 {dimension_numbers = #tpu.dot_dimension_numbers<[1], [1], [0], [0], [0, 0, 1, 0], [], []>, transpose_lhs_hint = false} : vector<384x32xf32>, vector<8192x32xf32>, vector<384x8192xf32> -> vector<384x8192xf32>
    %add3A_22 = vector.broadcast %get3A_16 : vector<384x1xf32> to vector<384x8192xf32>
    %add3A_23 = vector.broadcast %get3A_13 : vector<1x8192xf32> to vector<384x8192xf32>
    %add3A_24 = arith.addf %add3A_22, %add3A_23 : vector<384x8192xf32>
    %sub3A = arith.subf %add3A_24, %dot_general3A_21 : vector<384x8192xf32>
    %iota3A = tpu.iota {dimensions = array<i32: 1>} : vector<384x8192xi32>
    %slice3A = vector.extract_strided_slice %sub3A {offsets = [0, 0], sizes = [384, 2048], strides = [1, 1]} : vector<384x8192xf32> to vector<384x2048xf32>
    %reduce_min3A = arith.constant dense<0x7F800000> : vector<384xf32>
    %reduce_min3A_25 = vector.multi_reduction <minimumf>, %slice3A, %reduce_min3A [1] : vector<384x2048xf32> to vector<384xf32>
    %broadcast_in_dim3A = vector.shape_cast %reduce_min3A_25 : vector<384xf32> to vector<384x1xf32>
    %eq3A = vector.broadcast %broadcast_in_dim3A : vector<384x1xf32> to vector<384x2048xf32>
    %eq3A_26 = arith.cmpf oeq, %slice3A, %eq3A : vector<384x2048xf32>
    %slice3A_27 = vector.extract_strided_slice %iota3A {offsets = [0, 0], sizes = [384, 2048], strides = [1, 1]} : vector<384x8192xi32> to vector<384x2048xi32>
    %jit3A = arith.constant 8192 : i32
    %broadcast_in_dim3A_28 = vector.broadcast %jit3A : i32 to vector<384x2048xi32>
    %select_n3A = arith.select %eq3A_26, %slice3A_27, %broadcast_in_dim3A_28 : vector<384x2048xi1>, vector<384x2048xi32>
    %reduce_min3A_29 = arith.constant dense<2147483647> : vector<384xi32>
    %reduce_min3A_30 = vector.multi_reduction <minsi>, %select_n3A, %reduce_min3A_29 [1] : vector<384x2048xi32> to vector<384xi32>
    %broadcast_in_dim3A_31 = vector.shape_cast %reduce_min3A_30 : vector<384xi32> to vector<384x1xi32>
    %convert_element_type3A = arith.truncf %broadcast_in_dim3A : vector<384x1xf32> to vector<384x1xbf16>
    %convert_element_type3A_32 = arith.extf %convert_element_type3A : vector<384x1xbf16> to vector<384x1xf32>
    %slice3A_33 = vector.extract_strided_slice %sub3A {offsets = [0, 2048], sizes = [384, 2048], strides = [1, 1]} : vector<384x8192xf32> to vector<384x2048xf32>
    %reduce_min3A_34 = arith.constant dense<0x7F800000> : vector<384xf32>
    %reduce_min3A_35 = vector.multi_reduction <minimumf>, %slice3A_33, %reduce_min3A_34 [1] : vector<384x2048xf32> to vector<384xf32>
    %broadcast_in_dim3A_36 = vector.shape_cast %reduce_min3A_35 : vector<384xf32> to vector<384x1xf32>
    %eq3A_37 = vector.broadcast %broadcast_in_dim3A_36 : vector<384x1xf32> to vector<384x2048xf32>
    %eq3A_38 = arith.cmpf oeq, %slice3A_33, %eq3A_37 : vector<384x2048xf32>
    %slice3A_39 = vector.extract_strided_slice %iota3A {offsets = [0, 2048], sizes = [384, 2048], strides = [1, 1]} : vector<384x8192xi32> to vector<384x2048xi32>
    %jit3A_40 = arith.constant 8192 : i32
    %broadcast_in_dim3A_41 = vector.broadcast %jit3A_40 : i32 to vector<384x2048xi32>
    %select_n3A_42 = arith.select %eq3A_38, %slice3A_39, %broadcast_in_dim3A_41 : vector<384x2048xi1>, vector<384x2048xi32>
    %reduce_min3A_43 = arith.constant dense<2147483647> : vector<384xi32>
    %reduce_min3A_44 = vector.multi_reduction <minsi>, %select_n3A_42, %reduce_min3A_43 [1] : vector<384x2048xi32> to vector<384xi32>
    %broadcast_in_dim3A_45 = vector.shape_cast %reduce_min3A_44 : vector<384xi32> to vector<384x1xi32>
    %convert_element_type3A_46 = arith.truncf %broadcast_in_dim3A_36 : vector<384x1xf32> to vector<384x1xbf16>
    %convert_element_type3A_47 = arith.extf %convert_element_type3A_46 : vector<384x1xbf16> to vector<384x1xf32>
    %lt3A = arith.cmpf olt, %broadcast_in_dim3A_36, %convert_element_type3A_32 : vector<384x1xf32>
    %select_n3A_48 = arith.select %lt3A, %broadcast_in_dim3A_45, %broadcast_in_dim3A_31 : vector<384x1xi1>, vector<384x1xi32>
    %select_n3A_49 = arith.select %lt3A, %convert_element_type3A_47, %convert_element_type3A_32 : vector<384x1xi1>, vector<384x1xf32>
    %slice3A_50 = vector.extract_strided_slice %sub3A {offsets = [0, 4096], sizes = [384, 2048], strides = [1, 1]} : vector<384x8192xf32> to vector<384x2048xf32>
    %reduce_min3A_51 = arith.constant dense<0x7F800000> : vector<384xf32>
    %reduce_min3A_52 = vector.multi_reduction <minimumf>, %slice3A_50, %reduce_min3A_51 [1] : vector<384x2048xf32> to vector<384xf32>
    %broadcast_in_dim3A_53 = vector.shape_cast %reduce_min3A_52 : vector<384xf32> to vector<384x1xf32>
    %eq3A_54 = vector.broadcast %broadcast_in_dim3A_53 : vector<384x1xf32> to vector<384x2048xf32>
    %eq3A_55 = arith.cmpf oeq, %slice3A_50, %eq3A_54 : vector<384x2048xf32>
    %slice3A_56 = vector.extract_strided_slice %iota3A {offsets = [0, 4096], sizes = [384, 2048], strides = [1, 1]} : vector<384x8192xi32> to vector<384x2048xi32>
    %jit3A_57 = arith.constant 8192 : i32
    %broadcast_in_dim3A_58 = vector.broadcast %jit3A_57 : i32 to vector<384x2048xi32>
    %select_n3A_59 = arith.select %eq3A_55, %slice3A_56, %broadcast_in_dim3A_58 : vector<384x2048xi1>, vector<384x2048xi32>
    %reduce_min3A_60 = arith.constant dense<2147483647> : vector<384xi32>
    %reduce_min3A_61 = vector.multi_reduction <minsi>, %select_n3A_59, %reduce_min3A_60 [1] : vector<384x2048xi32> to vector<384xi32>
    %broadcast_in_dim3A_62 = vector.shape_cast %reduce_min3A_61 : vector<384xi32> to vector<384x1xi32>
    %convert_element_type3A_63 = arith.truncf %broadcast_in_dim3A_53 : vector<384x1xf32> to vector<384x1xbf16>
    %convert_element_type3A_64 = arith.extf %convert_element_type3A_63 : vector<384x1xbf16> to vector<384x1xf32>
    %lt3A_65 = arith.cmpf olt, %broadcast_in_dim3A_53, %select_n3A_49 : vector<384x1xf32>
    %select_n3A_66 = arith.select %lt3A_65, %broadcast_in_dim3A_62, %select_n3A_48 : vector<384x1xi1>, vector<384x1xi32>
    %select_n3A_67 = arith.select %lt3A_65, %convert_element_type3A_64, %select_n3A_49 : vector<384x1xi1>, vector<384x1xf32>
    %slice3A_68 = vector.extract_strided_slice %sub3A {offsets = [0, 6144], sizes = [384, 2048], strides = [1, 1]} : vector<384x8192xf32> to vector<384x2048xf32>
    %reduce_min3A_69 = arith.constant dense<0x7F800000> : vector<384xf32>
    %reduce_min3A_70 = vector.multi_reduction <minimumf>, %slice3A_68, %reduce_min3A_69 [1] : vector<384x2048xf32> to vector<384xf32>
    %broadcast_in_dim3A_71 = vector.shape_cast %reduce_min3A_70 : vector<384xf32> to vector<384x1xf32>
    %eq3A_72 = vector.broadcast %broadcast_in_dim3A_71 : vector<384x1xf32> to vector<384x2048xf32>
    %eq3A_73 = arith.cmpf oeq, %slice3A_68, %eq3A_72 : vector<384x2048xf32>
    %slice3A_74 = vector.extract_strided_slice %iota3A {offsets = [0, 6144], sizes = [384, 2048], strides = [1, 1]} : vector<384x8192xi32> to vector<384x2048xi32>
    %jit3A_75 = arith.constant 8192 : i32
    %broadcast_in_dim3A_76 = vector.broadcast %jit3A_75 : i32 to vector<384x2048xi32>
    %select_n3A_77 = arith.select %eq3A_73, %slice3A_74, %broadcast_in_dim3A_76 : vector<384x2048xi1>, vector<384x2048xi32>
    %reduce_min3A_78 = arith.constant dense<2147483647> : vector<384xi32>
    %reduce_min3A_79 = vector.multi_reduction <minsi>, %select_n3A_77, %reduce_min3A_78 [1] : vector<384x2048xi32> to vector<384xi32>
    %broadcast_in_dim3A_80 = vector.shape_cast %reduce_min3A_79 : vector<384xi32> to vector<384x1xi32>
    %lt3A_81 = arith.cmpf olt, %broadcast_in_dim3A_71, %select_n3A_67 : vector<384x1xf32>
    %select_n3A_82 = arith.select %lt3A_81, %broadcast_in_dim3A_80, %select_n3A_66 : vector<384x1xi1>, vector<384x1xi32>
    %eq3A_83 = vector.broadcast %select_n3A_82 : vector<384x1xi32> to vector<384x8192xi32>
    %eq3A_84 = arith.cmpi eq, %iota3A, %eq3A_83 : vector<384x8192xi32>
    %convert_element_type3A_85 = arith.extui %eq3A_84 : vector<384x8192xi1> to vector<384x8192xi32>
    %convert_element_type3A_86 = arith.sitofp %convert_element_type3A_85 : vector<384x8192xi32> to vector<384x8192xf32>
    %swap3A = arith.constant 0 : index
    %swap3A_87 = arith.constant 0 : index
    %swap3A_88 = vector.load %arg8[%swap3A, %swap3A_87] : memref<384x8192xf32, #tpu.memory_space<vmem>>, vector<384x8192xf32>
    tpu.vector_store %arg8[%swap3A, %swap3A_87], %convert_element_type3A_86 {strides = array<i32>} : memref<384x8192xf32, #tpu.memory_space<vmem>>, vector<384x8192xf32>,
    %swap3A_89 = arith.constant 0 : index
    %swap3A_90 = arith.constant 0 : index
    %swap3A_91 = vector.load %arg9[%swap3A_89, %swap3A_90] : memref<384x1xi32, #tpu.memory_space<vmem>>, vector<384x1xi32>
    tpu.vector_store %arg9[%swap3A_89, %swap3A_90], %select_n3A_82 {strides = array<i32>} : memref<384x1xi32, #tpu.memory_space<vmem>>, vector<384x1xi32>,
    %swap3A_92 = arith.constant 0 : index
    %swap3A_93 = arith.constant 0 : index
    %swap3A_94 = vector.load %arg10[%swap3A_92, %swap3A_93] : memref<384x32xf32, #tpu.memory_space<vmem>>, vector<384x32xf32>
    tpu.vector_store %arg10[%swap3A_92, %swap3A_93], %add3A_18 {strides = array<i32>} : memref<384x32xf32, #tpu.memory_space<vmem>>, vector<384x32xf32>,
    %get3A_95 = arith.constant 0 : index
    %get3A_96 = arith.constant 0 : index
    %get3A_97 = vector.load %arg7[%get3A_95, %get3A_96] : memref<1x384xf32, #tpu.memory_space<vmem>>, vector<1x384xf32>
    %dot_general3A_98 = arith.constant dense<0.000000e+00> : vector<1x8192xf32>
    %dot_general3A_99 = tpu.matmul %get3A_97, %convert_element_type3A_86, %dot_general3A_98 {dimension_numbers = #tpu.dot_dimension_numbers<[1], [0], [0], [1], [0, 0, 1, 1], [], []>, transpose_lhs_hint = false} : vector<1x384xf32>, vector<384x8192xf32>, vector<1x8192xf32> -> vector<1x8192xf32>
    %broadcast_in_dim3A_100 = vector.shape_cast %dot_general3A_99 : vector<1x8192xf32> to vector<1x1x8192xf32>
    %swap3A_101 = arith.constant 0 : index
    %swap3A_102 = arith.constant 0 : index
    %swap3A_103 = arith.constant 0 : index
    %swap3A_104 = vector.load %arg11[%swap3A_101, %swap3A_102, %swap3A_103] : memref<1x1x8192xf32, #tpu.memory_space<vmem>>, vector<1x1x8192xf32>
    tpu.vector_store %arg11[%swap3A_101, %swap3A_102, %swap3A_103], %broadcast_in_dim3A_100 {strides = array<i32>} : memref<1x1x8192xf32, #tpu.memory_space<vmem>>, vector<1x1x8192xf32>,
    return
  }
  func.func @transform_0(%arg0: i32) -> (i32, i32) {
    %c0_i32 = arith.constant 0 : i32
    %c0_i32_0 = arith.constant 0 : i32
    return %arg0, %c0_i32 : i32, i32
  }
  func.func @transform_1(%arg0: i32) -> (i32, i32) {
    %c0_i32 = arith.constant 0 : i32
    %c0_i32_0 = arith.constant 0 : i32
    %c0_i32_1 = arith.constant 0 : i32
    return %c0_i32, %c0_i32_0 : i32, i32
  }
  func.func @transform_2(%arg0: i32) -> (i32, i32) {
    %c0_i32 = arith.constant 0 : i32
    %c0_i32_0 = arith.constant 0 : i32
    %c0_i32_1 = arith.constant 0 : i32
    return %c0_i32, %c0_i32_0 : i32, i32
  }
  func.func @transform_3(%arg0: i32) -> (i32, i32) {
    %c0_i32 = arith.constant 0 : i32
    %c0_i32_0 = arith.constant 0 : i32
    %c0_i32_1 = arith.constant 0 : i32
    return %c0_i32, %c0_i32_0 : i32, i32
  }
  func.func @transform_4(%arg0: i32) -> (i32, i32) {
    %c0_i32 = arith.constant 0 : i32
    %c0_i32_0 = arith.constant 0 : i32
    %c0_i32_1 = arith.constant 0 : i32
    return %c0_i32, %c0_i32_0 : i32, i32
  }
  func.func @transform_5(%arg0: i32) -> (i32, i32) {
    %c0_i32 = arith.constant 0 : i32
    %c0_i32_0 = arith.constant 0 : i32
    return %arg0, %c0_i32 : i32, i32
  }
  func.func @transform_6(%arg0: i32) -> (i32, i32) {
    %c0_i32 = arith.constant 0 : i32
    %c0_i32_0 = arith.constant 0 : i32
    %c0_i32_1 = arith.constant 0 : i32
    return %c0_i32, %c0_i32_0 : i32, i32
  }
  func.func @transform_7(%arg0: i32) -> (i32, i32) {
    %c0_i32 = arith.constant 0 : i32
    %c0_i32_0 = arith.constant 0 : i32
    return %arg0, %c0_i32 : i32, i32
  }
  func.func @transform_8(%arg0: i32) -> (i32, i32) {
    %c0_i32 = arith.constant 0 : i32
    %c0_i32_0 = arith.constant 0 : i32
    return %arg0, %c0_i32 : i32, i32
  }
  func.func @transform_9(%arg0: i32) -> (i32, i32) {
    %c0_i32 = arith.constant 0 : i32
    %c0_i32_0 = arith.constant 0 : i32
    return %arg0, %c0_i32 : i32, i32
  }
  func.func @transform_10(%arg0: i32) -> (i32, i32, i32) {
    %c0_i32 = arith.constant 0 : i32
    %c0_i32_0 = arith.constant 0 : i32
    %c0_i32_1 = arith.constant 0 : i32
    return %arg0, %c0_i32, %c0_i32_0 : i32, i32, i32
  }
}

module attributes {stable_mosaic.version = 14 : i64} {
  func.func @_epilogue_body(%arg0: memref<9216x32xf32, #tpu.memory_space<vmem>>, %arg1: memref<9216x32xf32, #tpu.memory_space<vmem>>, %arg2: memref<24x1x8192xf32, #tpu.memory_space<vmem>>, %arg3: memref<1x1xf32, #tpu.memory_space<vmem>>, %arg4: memref<1x1xf32, #tpu.memory_space<vmem>>) attributes {dimension_semantics = [], scalar_prefetch = 0 : i64, scratch_operands = 0 : i64, tpu.core_type = #tpu.core_type<tc>} {
    %get3A = arith.constant 0 : index
    %get3A_0 = arith.constant 0 : index
    %get3A_1 = vector.load %arg0[%get3A, %get3A_0] : memref<9216x32xf32, #tpu.memory_space<vmem>>, vector<9216x32xf32>
    %get3A_2 = arith.constant 0 : index
    %get3A_3 = arith.constant 0 : index
    %get3A_4 = vector.load %arg1[%get3A_2, %get3A_3] : memref<9216x32xf32, #tpu.memory_space<vmem>>, vector<9216x32xf32>
    %sub3A = arith.subf %get3A_1, %get3A_4 : vector<9216x32xf32>
    %mul3A = arith.mulf %sub3A, %sub3A : vector<9216x32xf32>
    %reduce_sum3A = vector.shape_cast %mul3A : vector<9216x32xf32> to vector<1x9216x32xf32>
    %reduce_sum3A_5 = arith.constant dense<0.000000e+00> : vector<1xf32>
    %reduce_sum3A_6 = vector.multi_reduction <add>, %reduce_sum3A, %reduce_sum3A_5 [1, 2] : vector<1x9216x32xf32> to vector<1xf32>
    %reduce_sum3A_7 = vector.shape_cast %reduce_sum3A_6 : vector<1xf32> to vector<1x1x1xf32>
    %reduce_sum3A_8 = vector.extract %reduce_sum3A_7[0, 0, 0] : f32 from vector<1x1x1xf32>
    %div3A = arith.constant 2.949120e+05 : f32
    %div3A_9 = arith.divf %reduce_sum3A_8, %div3A : f32
    %mul3A_10 = arith.constant 3.000000e-01 : f32
    %mul3A_11 = arith.mulf %mul3A_10, %div3A_9 : f32
    %add3A = arith.addf %div3A_9, %mul3A_11 : f32
    %broadcast_in_dim3A = vector.broadcast %add3A : f32 to vector<1x1xf32>
    %swap3A = arith.constant 0 : index
    %swap3A_12 = arith.constant 0 : index
    %swap3A_13 = vector.load %arg3[%swap3A, %swap3A_12] : memref<1x1xf32, #tpu.memory_space<vmem>>, vector<1x1xf32>
    tpu.vector_store %arg3[%swap3A, %swap3A_12], %broadcast_in_dim3A {strides = array<i32>} : memref<1x1xf32, #tpu.memory_space<vmem>>, vector<1x1xf32>,
    %get3A_14 = arith.constant 0 : index
    %get3A_15 = arith.constant 0 : index
    %get3A_16 = arith.constant 0 : index
    %get3A_17 = vector.load %arg2[%get3A_14, %get3A_15, %get3A_16] : memref<24x1x8192xf32, #tpu.memory_space<vmem>>, vector<24x1x8192xf32>
    %squeeze3A = vector.shape_cast %get3A_17 : vector<24x1x8192xf32> to vector<24x8192xf32>
    %reduce_sum3A_18 = arith.constant dense<0.000000e+00> : vector<8192xf32>
    %reduce_sum3A_19 = vector.multi_reduction <add>, %squeeze3A, %reduce_sum3A_18 [0] : vector<24x8192xf32> to vector<8192xf32>
    %broadcast_in_dim3A_20 = vector.shape_cast %reduce_sum3A_19 : vector<8192xf32> to vector<1x8192xf32>
    %div3A_21 = arith.constant 9.216000e+03 : f32
    %div3A_22 = vector.broadcast %div3A_21 : f32 to vector<1x8192xf32>
    %div3A_23 = arith.divf %broadcast_in_dim3A_20, %div3A_22 : vector<1x8192xf32>
    %add3A_24 = arith.constant 1.000000e-10 : f32
    %add3A_25 = vector.broadcast %add3A_24 : f32 to vector<1x8192xf32>
    %add3A_26 = arith.addf %div3A_23, %add3A_25 : vector<1x8192xf32>
    %log3A = math.log %add3A_26 : vector<1x8192xf32>
    %mul3A_27 = arith.mulf %div3A_23, %log3A : vector<1x8192xf32>
    %reduce_sum3A_28 = vector.shape_cast %mul3A_27 : vector<1x8192xf32> to vector<1x1x8192xf32>
    %reduce_sum3A_29 = arith.constant dense<0.000000e+00> : vector<1xf32>
    %reduce_sum3A_30 = vector.multi_reduction <add>, %reduce_sum3A_28, %reduce_sum3A_29 [1, 2] : vector<1x1x8192xf32> to vector<1xf32>
    %reduce_sum3A_31 = vector.shape_cast %reduce_sum3A_30 : vector<1xf32> to vector<1x1x1xf32>
    %reduce_sum3A_32 = vector.extract %reduce_sum3A_31[0, 0, 0] : f32 from vector<1x1x1xf32>
    %broadcast_in_dim3A_33 = vector.broadcast %reduce_sum3A_32 : f32 to vector<1x1xf32>
    %neg3A = arith.constant 0.000000e+00 : f32
    %neg3A_34 = vector.broadcast %neg3A : f32 to vector<1x1xf32>
    %neg3A_35 = arith.subf %neg3A_34, %broadcast_in_dim3A_33 : vector<1x1xf32>
    %exp3A = math.exp %neg3A_35 : vector<1x1xf32>
    %swap3A_36 = arith.constant 0 : index
    %swap3A_37 = arith.constant 0 : index
    %swap3A_38 = vector.load %arg4[%swap3A_36, %swap3A_37] : memref<1x1xf32, #tpu.memory_space<vmem>>, vector<1x1xf32>
    tpu.vector_store %arg4[%swap3A_36, %swap3A_37], %exp3A {strides = array<i32>} : memref<1x1xf32, #tpu.memory_space<vmem>>, vector<1x1xf32>,
    return
  }
}

</mosaic_0001>

<sc_bundles>
// kernel: kernel.5.cloned.1.call-start
scs
__scs_entry_jumppad:
0x0: {  	(pc) =	sbr.rel $0x88, $3  }
0x1: {  	(tag) =	ssettag $0x0;
	lr =	simm.s32 $0x1  }
0x2: {  	[smem:$0x3F9D] =	sst lr;
	_ =	strace $0xD0000000  }
0x3: {  	_ = 	snop  }
0x4: {  	_ = 	snop  }
0x5: {  	_ = 	snop  }
0x6: {  	_ = 	snop  }
0x7: {  	_ = 	snop  }
__scs_overlays_trampoline_lowered:
0x8: {  	[smem:$0x3FAC] =	sst s0  }
0x9: {  	[smem:$0x3FAD] =	sst s1  }
0xa: {  	[smem:$0x3FAE] =	sst s2  }
0xb: {  	[smem:$0x3FAF] =	sst s3  }
0xc: {  	[smem:$0x3FB0] =	sst s4  }
0xd: {  	[smem:$0x3FB1] =	sst s5  }
0xe: {  	[smem:$0x3FB2] =	sst s6  }
0xf: {  	[smem:$0x3FB3] =	sst s7  }
0x10: {  	[smem:$0x3FB4] =	sst s8  }
0x11: {  	[smem:$0x3FB5] =	sst s9;
	s0 =	simm.s32 @!p0 $0x0  }
0x12: {  	s1 =	sld [smem:$0x3F9B];
	s0 =	simm.s32 @p0 $0x1  }
0x13: {  	[smem:$0x3FB6] =	sst s0;
	s0 =	simm.s32 @!p1 $0x0  }
0x14: {  	s2 =	sld [smem:$0x3F9A];
	s0 =	simm.s32 @p1 $0x1  }
0x15: {  	[smem:$0x3FB7] =	sst s0;
	s0 =	simm.s32 @!p2 $0x0  }
0x16: {  	s3 =	sld [smem:$0x3FDB];
	s0 =	simm.s32 @p2 $0x1  }
0x17: {  	s4 =	simm.s32 $0x1BF5;
	[smem:$0x3FB9] =	sst s0  }
0x18: {  	s0 =	sld [smem:$0x3F9C];
	_ =	swait.ge [sflag:s4], $0x0  }
0x19: {  	s7 =	sld [smem:$0x3F9D]  }
0x1a: {  	s8 =	sadd.s32 $0xFFFFE003, lr  }
0x1b: {  	s9 =	sadd.s32 $0xFFFFFEF7, lr;
	s5 =	simm.s32 $0xFFFFFFFF;
	p2 =	slt.u32 s8, $0xFFFFF086  }
0x1c: {  	p1 =	slt.u32 s9, $0xF7A;
	s5 =	simm.s32 @!p2 $0x0  }
0x1d: {  	s5 =	simm.s32 @p1 $0x1;
	p0 =	seq.s32 s7, s2  }
0x1e: {  	s7 =	smul.u32 @!p0 $0xF7A, s2;
	p2 =	seq.s32 @!p0 s5, $0x0  }
0x1f: {  	s9 =	smul.u32 $0xF7A, s1;
	s8 =	simm.s32 @!p0 $0x1BF5;
	p2 =	por !p2, p0  }
0x20: {  	[sflag:s8] =	ssyncset.s32 @!p0 $0xFFFFF086;
	s6 =	sadd.s32 @!p0 s3, s7;
	s7 =	simm.s32 @!p0 $0x108  }
0x21: {  	s3 =	sadd.s32 s3, s9;
	s6 =	sadd.s32 @!p0 $0x88, s6;
	s7 =	simm.s32 @p2 $0x1082  }
0x22: {  	[simem:s7], [sflag:s8] =	dma.local @!p0 [hbm:s6], $0xF7A  }
0x23: {  	s9 =	sor.u32 $0xD0000000, s2;
	s6 =	simm.s32 $0x108;
	_ =	swait.ge @!p0 [sflag:s8], $0x0  }
0x24: {  	s3 =	sadd.s32 $0x88, s3;
	s6 =	simm.s32 @!p1 $0x1082;
	[sflag:s4] =	ssyncset.s32 $0xFFFFF086  }
0x25: {  	[simem:s6], [sflag:s4] =	dma.local [hbm:s3], $0xF7A  }
0x26: {  	[smem:$0x3F9D] =	sst s1;
	(tag) =	ssettag s2;
	_ =	strace s9  }
0x27: {  	s1 =	sld [smem:$0x3FAD]  }
0x28: {  	s2 =	sld [smem:$0x3FAE]  }
0x29: {  	s4 =	sld [smem:$0x3FB0]  }
0x2a: {  	p0 =	seq.s32 s5, $0x0;
	s5 =	sld [smem:$0x3FB1]  }
0x2b: {  	s6 =	sld [smem:$0x3FB2]  }
0x2c: {  	s7 =	sld [smem:$0x3FB3]  }
0x2d: {  	s3 =	simm.s32 $0x108;
	s8 =	sld [smem:$0x3FB4]  }
0x2e: {  	s3 =	simm.s32 @!p0 $0x1082;
	s9 =	sld [smem:$0x3FB5]  }
0x2f: {  	lr =	sadd.s32 s0, s3;
	s0 =	sld [smem:$0x3FAC]  }
0x30: {  	s3 =	sld [smem:$0x3FAF]  }
0x31: {  	[smem:$0x3FB8] =	sst s10  }
0x32: {  	s10 =	sld [smem:$0x3FB6];
	_ =	sdelay $0x3  }
0x33: {  	p0 =	seq.s32 s10, $0x1;
	s10 =	sld [smem:$0x3FB8];
	_ =	sdelay $0x3  }
0x34: {  	[smem:$0x3FB8] =	sst s10  }
0x35: {  	s10 =	sld [smem:$0x3FB7];
	_ =	sdelay $0x3  }
0x36: {  	p1 =	seq.s32 s10, $0x1;
	s10 =	sld [smem:$0x3FB8];
	_ =	sdelay $0x3  }
0x37: {  	[smem:$0x3FB8] =	sst s10  }
0x38: {  	s10 =	sld [smem:$0x3FB9]  }
0x39: {  	_ = 	snop;
	(pc) =	sbr.ind lr, $3  }
0x3a: {  	_ = 	snop  }
0x3b: {  	_ = 	snop  }
0x3c: {  	p2 =	seq.s32 s10, $0x1;
	s10 =	sld [smem:$0x3FB8]  }
0x3d: {  	_ =	shalt  }
0x3e: {  	_ =	shalt  }
0x3f: {  	_ =	shalt  }
0x40: {  	_ =	shalt  }
0x41: {  	_ =	shalt  }
0x42: {  	_ =	shalt  }
0x43: {  	_ =	shalt  }
0x44: {  	_ =	shalt  }
0x45: {  	_ =	shalt  }
0x46: {  	_ =	shalt  }
0x47: {  	_ =	shalt  }
0x48: {  	_ =	shalt  }
0x49: {  	_ =	shalt  }
0x4a: {  	_ =	shalt  }
0x4b: {  	_ =	shalt  }
0x4c: {  	_ =	shalt  }
0x4d: {  	_ =	shalt  }
0x4e: {  	_ =	shalt  }
0x4f: {  	_ =	shalt  }
0x50: {  	_ =	shalt  }
0x51: {  	_ =	shalt  }
0x52: {  	_ =	shalt  }
0x53: {  	_ =	shalt  }
0x54: {  	_ =	shalt  }
0x55: {  	_ =	shalt  }
0x56: {  	_ =	shalt  }
0x57: {  	_ =	shalt  }
0x58: {  	_ =	shalt  }
0x59: {  	_ =	shalt  }
0x5a: {  	_ =	shalt  }
0x5b: {  	_ =	shalt  }
0x5c: {  	_ =	shalt  }
0x5d: {  	_ =	shalt  }
0x5e: {  	_ =	shalt  }
0x5f: {  	_ =	shalt  }
0x60: {  	_ =	shalt  }
0x61: {  	_ =	shalt  }
0x62: {  	_ =	shalt  }
0x63: {  	_ =	shalt  }
0x64: {  	_ =	shalt  }
0x65: {  	_ =	shalt  }
0x66: {  	_ =	shalt  }
0x67: {  	_ =	shalt  }
0x68: {  	_ =	shalt  }
0x69: {  	_ =	shalt  }
0x6a: {  	_ =	shalt  }
0x6b: {  	_ =	shalt  }
0x6c: {  	_ =	shalt  }
0x6d: {  	_ =	shalt  }
0x6e: {  	_ =	shalt  }
0x6f: {  	_ =	shalt  }
0x70: {  	_ =	shalt  }
0x71: {  	_ =	shalt  }
0x72: {  	_ =	shalt  }
0x73: {  	_ =	shalt  }
0x74: {  	_ =	shalt  }
0x75: {  	_ =	shalt  }
0x76: {  	_ =	shalt  }
0x77: {  	_ =	shalt  }
0x78: {  	_ =	shalt  }
0x79: {  	_ =	shalt  }
0x7a: {  	_ =	shalt  }
0x7b: {  	_ =	shalt  }
0x7c: {  	_ =	shalt  }
0x7d: {  	_ =	shalt  }
0x7e: {  	_ =	shalt  }
0x7f: {  	_ =	shalt  }
0x80: {  	_ =	shalt  }
0x81: {  	_ =	shalt  }
0x82: {  	_ =	shalt  }
0x83: {  	_ =	shalt  }
0x84: {  	_ =	shalt  }
0x85: {  	_ =	shalt  }
0x86: {  	_ =	shalt  }
0x87: {  	_ =	shalt  }
.Lfunc_end0:
.L_simem_size_0:
called_computation_lowered:
.L_overlay_start_0:
0x88: {  	s2 =	sld [smem:$0x3FD9]  }
0x89: {  	s3 =	sld [smem:$0x3FFE];
	_ =	sdelay $0x1  }
0x8a: {  	s1 =	srdreg.scid  }
0x8b: {  	s0 =	sand.u32 $0x1, s1  }
0x8c: {  	s14 =	sshll.u32 s0, $0xA;
	s2 =	sadd.s32 s3, s2  }
0x8d: {  	s2 =	sadd.s32 s2, s14  }
0x8e: {  	[smem:$0x3FC4] =	sst s2  }
0x8f: {  	_ = 	snop  }
0x90: {  	s2 =	sld [smem:$0x3FD0];
	_ =	sdelay $0x2  }
0x91: {  	s15 =	simm.s32 $0xA;
	s4 =	simm.s32 $0x10  }
0x92: {  	[smem:s4], [sflag:s15] =	dma.local [hbm:s2], $0x1  }
0x93: {  	_ =	swait.eq [sflag:s15], $0x1  }
0x94: {  	[sflag:s15] =	ssyncset.done $0x0  }
0x95: {  	[sflag:s15] =	ssyncadd.s32 $0xFFFFFFFF  }
0x96: {  	s16 =	sld [smem:$0x11];
	(tm) =	ssettm $0x1  }
0x97: {  	s17 =	sld [smem:$0x3FFB];
	_ =	sdelay $0x3  }
0x98: {  	_ =	strace s17  }
0x99: {  	s3 =	sld [smem:$0x3FFC];
	_ =	sdelay $0x3  }
0x9a: {  	_ =	strace s3  }
0x9b: {  	s3 =	sld [smem:$0x3FFD];
	_ =	sdelay $0x3  }
0x9c: {  	_ =	strace s3  }
0x9d: {  	_ =	strace $0x8FFFFFFF  }
0x9e: {  	s18 =	sld [smem:$0x3FDB];
	_ =	sdelay $0x1  }
0x9f: {  	s19 =	simm.s32 $_scs_section_size  }
0xa0: {  	s5 =	simm.s32 $_size__tile_overlayer_lowered;
	s6 =	simm.s32 $_tile_overlayer_lowered  }
0xa1: {  	s22 =	simm.s32 $0x1BFF;
	s21 =	sshll.u32 s6, $0x1;
	s3 =	sadd.s32 s19, s18  }
0xa2: {  	s7 =	simm.s32 $0x0;
	s20 =	sshll.u32 s5, $0x1;
	s5 =	sadd.s32 s21, s3  }
0xa3: {  	[timem:s7], [sflag:s22] =	dma.local [hbm:s5], s20  }
0xa4: {  	_ =	swait.ge [sflag:s22], s20  }
0xa5: {  	s4 =	ssub.s32 $0x0, s20;
	[sflag:s22] =	ssyncset.done $0x0  }
0xa6: {  	[sflag:s22] =	ssyncadd.s32 s4;
	_ =	sdelay $0x1  }
0xa7: {  	s23 =	simm.s32 $0x1B8B  }
0xa8: {  	_ =	swait.ge [sflag:s23], $0x1  }
0xa9: {  	[sflag:s23] =	ssyncset.done $0x0  }
0xaa: {  	s25 =	simm.s32 $0x1B8E;
	s24 =	sld [smem:$0x3FFE];
	[sflag:s23] =	ssyncadd.s32 $0xFFFFFFFF  }
0xab: {  	s26 =	simm.s32 $execute0_lowered;
	[smem:$0x3FD2] =	sst s25  }
0xac: {  	s5 =	sshll.u32 s26, $0x1;
	_ =	strace $0x80000046;
	[dreg:$0x1] =	wrdreg $0xFFFFFFFF  }
0xad: {  	s28 =	simm.s32 $_size_execute0_lowered;
	s3 =	sadd.s32 s3, s5;
	[dreg:$0x0] =	wrdreg $0x0  }
0xae: {  	s5 =	sshll.u32 s28, $0x1;
	[dreg:$0x2] =	wrdreg s3  }
0xaf: {  	[dreg:$0x3] =	wrdreg s5  }
0xb0: {  	[dreg:$0x4] =	wrdreg $0xC0  }
0xb1: {  	_ =	task [dreg:s7], $0x5FFFF  }
0xb2: {  	[dreg:$0x1] =	wrdreg $0xFFFFFFFF  }
0xb3: {  	[dreg:$0x0] =	wrdreg $0x60  }
0xb4: {  	[dreg:$0x2] =	wrdreg s24  }
0xb5: {  	[dreg:$0x3] =	wrdreg s16  }
0xb6: {  	[dreg:$0x4] =	wrdreg $0x9  }
0xb7: {  	_ =	task.clear_ibuf [dreg:s7], $0x5FFFF;
	_ =	strace $0x90000046  }
0xb8: {  	s29 =	simm.s32 $0x9;
	_ =	strace $0x80000048  }
0xb9: {  	_ =	swait.ge [sflag:s29], $0x1  }
0xba: {  	[sflag:s29] =	ssyncadd.s32 $0xFFFFFFFF  }
0xbb: {  	_ =	strace $0x90000048  }
0xbc: {  	_ =	sfence  }
0xbd: {  	s30 =	sld [smem:$0x0];
	_ =	sdelay $0x2  }
0xbe: {  	s31 =	sshll.u32 s1, $0xD;
	s1 =	sshrl.u32 s1, $0x2  }
0xbf: {  	s3 =	sand.u32 $0x4000, s31;
	s1 =	sadd.s32 s1, s30  }
0xc0: {  	s0 =	sor.u32 s3, s0;
	s1 =	sshll.u32 s1, $0x11  }
0xc1: {  	s0 =	sor.u32 s1, s0  }
0xc2: {  	s0 =	sadd.s32 $0x8F2B, s0  }
0xc3: {  	[sflag:s0] =	ssyncadd.remote.s32 $0x1  }
0xc4: {  	_ =	sfence.sel $0xFFFF  }
0xc5: {  	[dreg:$0x0] =	wrdreg $0xFFFFFFFF;
	(pc) =	sbr.abs _section_cstart, $3  }
0xc6: {  	[dreg:$0x1] =	wrdreg $0xFFFFFFFF  }
0xc7: {  	_ =	task.clear_ibuf [dreg:s7], $0x2FFFF;
	_ =	strace $0x9FFFFFFF  }
0xc8: {  	(tm) =	ssettm $0x7FFFFFFF  }
0xc9: {  	_ =	shalt  }
tec
execute0_lowered:
.L_overlay_start_1:
0x0: {  	(tag) =	ssettag $0x1  }
0x1: {  	s1 =	srdreg.scid  }
0x2: {  	s0 =	stileid.u32;
	s9 =	rddreg [dreg:$0x0]  }
0x3: {  	s3 =	rddreg [dreg:$0x1];
	s6 =	sand.u32 $0x1, s1;
	s30 =	sshll.u32 s0, $0x1  }
0x4: {  	s2 =	simm.s32 $0x0;
	s1 =	rddreg [dreg:$0x2];
	s7 =	sor.u32 s6, s30  }
0x5: {  	s8 =	simm.s32 $0x1;
	[smem:$0x7FF] =	sst s2;
	s4 =	smul.u32 $0x24, s7  }
0x6: {  	s5 =	sadd.s32 $0x24200, s9;
	_ =	strace $0x80000047;
	s11 =	ssub.s32 $0x2, s6  }
0x7: {  	s6 =	simm.s32 $0x120;
	s4 =	sadd.s32 s3, s4;
	s3 =	simm.s32 $0x2  }
0x8: {  	[tilespmem:s2], [sflag:$0x2] =	stream.linear.gather [hbm4b:s4+s2], $0x120, $0x38;
	[tilespmem:$0x9180] =	vst v63  }
0x9: {  	s10 =	smul.u32 $0x1200, s7;
	s12 =	sshrl.u32 s11, $0x1;
	_ =	swait.ge [sflag:s3], $0x120  }
0xa: {  	s7 =	simm.s32 $0x180;
	s31 =	ssub.s32 s11, s12;
	[sflag:s3] =	ssyncset.done $0x0  }
0xb: {  	s9 =	sadd.s32 s10, s9;
	s10 =	smax.u32 s31, $0x1;
	[sflag:s3] =	ssyncadd.s32 $0xFFFFFEE0  }
0xc: {  	[tilespmem:s7], [sflag:$0x1] =	stream.indirect.gather [hbm4b:s5+s6], $0x80, s2, s6, $0xb8;
	[tilespmem:$0x9180] =	vst v63  }
0xd: {  	p0 =	sne.s32 s10, $0x1;
	_ =	swait.ge [sflag:s8], $0x9000  }
.Ltmp0:
0xe: {  	[sflag:s8] =	ssyncset.done $0x0;
	(pc) =	sbr.rel @!p0 .LBB2_2-.Ltmp0, $4  }
0xf: {  	s9 =	sadd.s32 $0x200, s9;
	[sflag:s8] =	ssyncadd.s32 $0xFFFF7000  }
0x10: {  	[hbm4b:s9+s2] =	stream.linear.scatter [tilespmem:s7], [sflag:$0x2], $0x9000, $0x38;
	[tilespmem:$0x9180] =	vst v63  }
0x11: {  	_ =	swait.ge [sflag:s3], $0x9000  }
0x12: {  	s10 =	sadd.s32 $0xFFFFFFFF, s10;
	[sflag:s3] =	ssyncset.done $0x0  }
.LBB2_1:
0x13: {  	p0 =	sne.s32 s10, $0x1;
	s10 =	sadd.s32 $0xFFFFFFFF, s10;
	[sflag:s3] =	ssyncadd.s32 $0xFFFF7000  }
0x14: {  	[tilespmem:s2], [sflag:$0x2] =	stream.linear.gather [hbm4b:s4+s2], $0x120, $0x38;
	[tilespmem:$0x9180] =	vst v63  }
0x15: {  	_ =	swait.ge [sflag:s3], $0x120  }
0x16: {  	[sflag:s3] =	ssyncset.done $0x0  }
0x17: {  	[sflag:s3] =	ssyncadd.s32 $0xFFFFFEE0  }
0x18: {  	[tilespmem:s7], [sflag:$0x1] =	stream.indirect.gather [hbm4b:s5+s6], $0x80, s2, s6, $0xb8;
	[tilespmem:$0x9180] =	vst v63  }
0x19: {  	_ =	swait.ge [sflag:s8], $0x9000  }
.Ltmp1:
0x1a: {  	[sflag:s8] =	ssyncset.done $0x0;
	(pc) =	sbr.rel @p0 .LBB2_1-.Ltmp1, $4  }
0x1b: {  	[sflag:s8] =	ssyncadd.s32 $0xFFFF7000  }
0x1c: {  	[hbm4b:s9+s2] =	stream.linear.scatter [tilespmem:s7], [sflag:$0x2], $0x9000, $0x38;
	[tilespmem:$0x9180] =	vst v63  }
0x1d: {  	_ =	swait.ge [sflag:s3], $0x9000  }
0x1e: {  	[sflag:s3] =	ssyncset.done $0x0  }
.LBB2_2:
0x1f: {  	[sflag:s3] =	ssyncadd.s32 $0xFFFF7000  }
0x20: {  	_ =	sfence.sel $0x180000  }
0x21: {  	[bflag:$0x0] =	sbarrier.arrive $0xFFFF  }
0x22: {  	p0 =	sne.s32 s0, $0x0;
	_ =	strace $0x90000047  }
0x23: {  	s0 =	sadd.s32 @!p0 $0x100000, s1;
	[bflag:$0x2] =	sbarrier.arrive $0xFFFF  }
0x24: {  	[sflag:s0] =	ssyncadd.tile.s32 @!p0 $0x1;
	_ =	shalt  }
.Lfunc_end2:
_tile_overlayer_lowered:
.L_overlay_start_2:
0x25: {  	(tag) =	ssettag $0x2  }
0x26: {  	s0 =	rddreg [dreg:$0x0];
	s2 =	stileid.u32  }
0x27: {  	s1 =	rddreg [dreg:$0x1];
	p0 =	sne.s32 s2, $0x0  }
0x28: {  	s3 =	rddreg [dreg:$0x2];
	[bflag:$0x3] =	sbarrier.arrive $0xFFFF;
	s2 =	simm.s32 @!p0 $0x1C02  }
0x29: {  	[timem:s3], [sflag:s2] =	dma.local @!p0 [hbm:s0], s1  }
0x2a: {  	s0 =	simm.s32 @!p0 $0x2  }
0x2b: {  	_ =	swait.ge @!p0 [sflag:s0], s1  }
0x2c: {  	s1 =	ssub.s32 @!p0 $0x0, s1;
	[sflag:s0] =	ssyncset.done @!p0 $0x0  }
0x2d: {  	[sflag:s0] =	ssyncadd.s32 @!p0 s1  }
0x2e: {  	[bflag:$0x3] =	sbarrier.arrive $0xFFFF  }
0x2f: {  	_ =	shalt  }

</sc_bundles>
